<compile_context>
chip_gen: v7x
topology: tpu7x:2x2x1
jax: 0.10.2.dev20260603
libtpu: 0.0.44.dev20260713+nightly
codegen_flags: <defaults>
</compile_context>

<pallas_src>
import functools

import jax
import jax.numpy as jnp
from jax import lax
from jax.experimental import pallas as pl
from jax.experimental.pallas import tpu as pltpu
from jax.experimental.pallas import tpu_sc as plsc

_N_IDX = 819200
_DIM = 3
_NC = 2
_NS = 16
_NW = _NC * _NS
_PER_W = _N_IDX // _NW
_G = 512
_GROUPS = _PER_W // _G
_V = 1 << 20
_VOCAB = 1000000
_SC_SLICE = _V // _NS
_ZB = 16384
_ROWS = _V // 128
_TCGRID = 4
_TCBLK = _ROWS // _TCGRID

_mesh = plsc.VectorSubcoreMesh(core_axis_name="c", subcore_axis_name="s")
_params = pltpu.CompilerParams(
    needs_layout_passes=False, use_tc_tiling_on_sc=False)


@functools.partial(
    pl.kernel,
    out_type=jax.ShapeDtypeStruct((_NC, _V), jnp.float32),
    mesh=_mesh,
    compiler_params=_params,
    scratch_types=[
        pltpu.VMEM((_GROUPS, _G), jnp.int32),
        pltpu.VMEM((_G,), jnp.float32),
        pltpu.VMEM((_ZB,), jnp.float32),
        pltpu.VMEM_SHARED((_V,), jnp.float32),
    ],
)
def _hist(idx_hbm, out_hbm, idx_v, ones_v, zbuf, counts_sp):
    cid = lax.axis_index("c")
    sid = lax.axis_index("s")
    wid = sid * _NC + cid
    one = jnp.full((16,), 1.0, jnp.float32)
    zero = jnp.zeros((16,), jnp.float32)

    pltpu.sync_copy(idx_hbm.at[pl.ds(wid * _GROUPS, _GROUPS)], idx_v)
    for k in range(_G // 16):
        ones_v[pl.ds(k * 16, 16)] = one

    def zfill(i, _):
        zbuf[pl.ds(i * 16, 16)] = zero
        return 0
    lax.fori_loop(0, _ZB // 16, zfill, 0)

    def zcopy(k, _):
        pltpu.sync_copy(
            zbuf, counts_sp.at[pl.ds(sid * _SC_SLICE + k * _ZB, _ZB)])
        return 0
    lax.fori_loop(0, _SC_SLICE // _ZB, zcopy, 0)
    plsc.subcore_barrier()

    def scat(g, _):
        pltpu.sync_copy(ones_v, counts_sp.at[idx_v.at[g]], add=True)
        return 0
    lax.fori_loop(0, _GROUPS, scat, 0)
    plsc.subcore_barrier()

    pltpu.sync_copy(counts_sp.at[pl.ds(sid * _SC_SLICE, _SC_SLICE)],
                    out_hbm.at[cid, pl.ds(sid * _SC_SLICE, _SC_SLICE)])


def _tcsum(cnt, cols, out):
    @pl.when(pl.program_id(0) == 0)
    def _():
        out[...] = jnp.zeros((8, 128), jnp.float32)

    c = cnt[0] + cnt[1]
    parts = [jnp.sum(c * cols[j], axis=0, keepdims=True) for j in range(6)]
    parts.append(jnp.zeros((2, 128), jnp.float32))
    out[...] += jnp.concatenate(parts, axis=0)


_tcsum_call = pl.pallas_call(
    _tcsum,
    grid=(_TCGRID,),
    in_specs=[pl.BlockSpec((2, _TCBLK, 128), lambda i: (0, i, 0)),
              pl.BlockSpec((6, _TCBLK, 128), lambda i: (0, i, 0))],
    out_specs=pl.BlockSpec((8, 128), lambda i: (0, 0)),
    out_shape=jax.ShapeDtypeStruct((8, 128), jnp.float32),
)


def kernel(eb_input, eb_offset, W0, W1, W2, W3):
    del eb_offset
    idx = eb_input.astype(jnp.int32).reshape(_NW * _GROUPS, _G)
    cols = jnp.stack(
        [jnp.pad(Wa[:, j] + Wb[:, j], (0, _V - _VOCAB)).reshape(_ROWS, 128)
         for (Wa, Wb) in ((W0, W2), (W1, W3)) for j in range(_DIM)])
    counts = _hist(idx).reshape(_NC, _ROWS, 128)
    partials = _tcsum_call(counts, cols)
    return jnp.sum(partials, axis=1)[:6]

# --- scband reference (transcript-rebuilt; emitter-appended) ---
"""Pipeline reference for scband-custom-model-emb-emb-bag-diff-node-89146341196153 (READ-ONLY COPY).

The authoritative reference and input builder live on the scoring server;
editing this copy changes nothing except your own understanding.
"""

import jax, jax.numpy as jnp
import numpy as np

VOCAB = 1000000
N_IDX = 819200
BATCH = 16384
DIM = 3

def setup_inputs(seed: int = 0) -> dict:
    key = jax.random.key(seed)
    k1, k2, k3, k4, k5, k6 = jax.random.split(key, 6)
    eb_input = jax.random.randint(k1, (N_IDX,), 0, VOCAB, dtype=jnp.int64)
    eb_offset = jnp.sort(jax.random.randint(k2, (BATCH,), 0, N_IDX, dtype=jnp.int64))
    eb_offset = eb_offset.at[0].set(0)  # EmbeddingBag requires offsets[0] == 0
    W0 = jax.random.normal(k3, (VOCAB, DIM), dtype=jnp.float32)
    W1 = jax.random.normal(k4, (VOCAB, DIM), dtype=jnp.float32)
    W2 = jax.random.normal(k5, (VOCAB, DIM), dtype=jnp.float32)
    W3 = jax.random.normal(k6, (VOCAB, DIM), dtype=jnp.float32)
    return {"eb_input": eb_input, "eb_offset": eb_offset, "W0": W0, "W1": W1, "W2": W2, "W3": W3}

def _embedding_bag_sum(table, indices, offsets, num_bags):
    n = indices.shape[0]
    seg = jnp.searchsorted(offsets, jnp.arange(n), side='right') - 1
    seg = jnp.clip(seg, 0, num_bags - 1)
    rows = jnp.take(table, indices, axis=0)
    return jax.ops.segment_sum(rows, seg, num_segments=num_bags)

def reference(eb_input, eb_offset, W0, W1, W2, W3):
    B = eb_offset.shape[0]
    # group 0: two EmbeddingBag(mode='sum') sharing same input/offsets
    bag0 = _embedding_bag_sum(W0, eb_input, eb_offset, B)
    bag2 = _embedding_bag_sum(W2, eb_input, eb_offset, B)
    # group 1: two plain Embedding lookups
    emb1 = jnp.take(W1, eb_input, axis=0)
    emb3 = jnp.take(W3, eb_input, axis=0)
    output_0 = jnp.sum(jnp.concatenate([bag0, bag2], axis=0), axis=0)
    output_1 = jnp.sum(jnp.concatenate([emb1, emb3], axis=0), axis=0)
    return jnp.concatenate([output_0, output_1])

if __name__ == "__main__":
    import jax
    _d = setup_inputs()
    print(jax.jit(kernel)(*tuple(_d.values())))

</pallas_src>

<mosaic_0001>
#map = affine_map<(d0, d1) -> (0, 0)>
module attributes {stable_mosaic.version = 14 : i64} {
  func.func @_hist(%arg0: i32, %arg1: i32, %arg2: memref<1600x512xi32, #tpu.memory_space<hbm>>, %arg3: memref<2x1048576xf32, #tpu.memory_space<hbm>>, %arg4: memref<50x512xi32, #tpu.memory_space<vmem>>, %arg5: memref<512xf32, #tpu.memory_space<vmem>>, %arg6: memref<16384xf32, #tpu.memory_space<vmem>>, %arg7: memref<1048576xf32, #tpu.memory_space<vmem_shared>>) attributes {dimension_semantics = [#tpu.dimension_semantics<core_parallel>, #tpu.dimension_semantics<subcore_parallel>], iteration_bounds = array<i64: 2, 16>, scalar_prefetch = 0 : i64, scratch_operands = 4 : i64, tpu.core_type = #tpu.core_type<sc_vector_subcore>, window_params = [{transform_indices = #map}, {transform_indices = #map}]} {
    %mul3A = arith.constant 2 : i32
    %mul3A_0 = arith.muli %arg1, %mul3A : i32
    %add3A = arith.addi %mul3A_0, %arg0 : i32
    %broadcast_in_dim3A = arith.constant 1.000000e+00 : f32
    %broadcast_in_dim3A_1 = vector.broadcast %broadcast_in_dim3A : f32 to vector<16xf32>
    %broadcast_in_dim3A_2 = arith.constant 0.000000e+00 : f32
    %broadcast_in_dim3A_3 = vector.broadcast %broadcast_in_dim3A_2 : f32 to vector<16xf32>
    %mul3A_4 = arith.constant 50 : i32
    %mul3A_5 = arith.muli %add3A, %mul3A_4 : i32
    "tpu.region"() ({
      %run_scoped3A = tpu.sem_alloc : memref<!tpu.dma_semaphore, #tpu.memory_space<semaphore_mem>>
      %dma_start3A = arith.constant 0 : i32
      %dma_start3A_94 = tpu.memref_slice %arg2[%mul3A_5, %dma_start3A] : memref<1600x512xi32, #tpu.memory_space<hbm>> -> memref<50x512xi32, #tpu.memory_space<hbm>>
      %dma_start3A_95 = arith.constant 0 : i32
      %dma_start3A_96 = tpu.memref_slice %arg2[%mul3A_5, %dma_start3A_95] : memref<1600x512xi32, #tpu.memory_space<hbm>> -> memref<50x512xi32, #tpu.memory_space<hbm>>
      tpu.enqueue_dma source(%dma_start3A_96 : memref<50x512xi32, #tpu.memory_space<hbm>>) target(%arg4 : memref<50x512xi32, #tpu.memory_space<vmem>>) target_semaphore(%run_scoped3A : memref<!tpu.dma_semaphore, #tpu.memory_space<semaphore_mem>>)
      %dma_wait3A = arith.constant 0 : i32
      %dma_wait3A_97 = tpu.memref_slice %arg2[%mul3A_5, %dma_wait3A] : memref<1600x512xi32, #tpu.memory_space<hbm>> -> memref<50x512xi32, #tpu.memory_space<hbm>>
      %dma_wait3A_98 = arith.constant 0 : i32
      %dma_wait3A_99 = tpu.memref_slice %arg2[%mul3A_5, %dma_wait3A_98] : memref<1600x512xi32, #tpu.memory_space<hbm>> -> memref<50x512xi32, #tpu.memory_space<hbm>>
      tpu.wait_dma2 semaphore(%run_scoped3A : memref<!tpu.dma_semaphore, #tpu.memory_space<semaphore_mem>>) src(%dma_wait3A_99 : memref<50x512xi32, #tpu.memory_space<hbm>>) dst(%arg4 : memref<50x512xi32, #tpu.memory_space<vmem>>)
      tpu.yield
    }) : () -> ()
    %swap3A = arith.constant 0 : index
    %swap3A_6 = tpu.vector_load %arg5[%swap3A] {strides = array<i32>} : memref<512xf32, #tpu.memory_space<vmem>>, vector<16xf32>,
    tpu.vector_store %arg5[%swap3A], %broadcast_in_dim3A_1 {strides = array<i32>} : memref<512xf32, #tpu.memory_space<vmem>>, vector<16xf32>,
    %swap3A_7 = arith.constant 16 : index
    %swap3A_8 = tpu.vector_load %arg5[%swap3A_7] {strides = array<i32>} : memref<512xf32, #tpu.memory_space<vmem>>, vector<16xf32>,
    tpu.vector_store %arg5[%swap3A_7], %broadcast_in_dim3A_1 {strides = array<i32>} : memref<512xf32, #tpu.memory_space<vmem>>, vector<16xf32>,
    %swap3A_9 = arith.constant 32 : index
    %swap3A_10 = tpu.vector_load %arg5[%swap3A_9] {strides = array<i32>} : memref<512xf32, #tpu.memory_space<vmem>>, vector<16xf32>,
    tpu.vector_store %arg5[%swap3A_9], %broadcast_in_dim3A_1 {strides = array<i32>} : memref<512xf32, #tpu.memory_space<vmem>>, vector<16xf32>,
    %swap3A_11 = arith.constant 48 : index
    %swap3A_12 = tpu.vector_load %arg5[%swap3A_11] {strides = array<i32>} : memref<512xf32, #tpu.memory_space<vmem>>, vector<16xf32>,
    tpu.vector_store %arg5[%swap3A_11], %broadcast_in_dim3A_1 {strides = array<i32>} : memref<512xf32, #tpu.memory_space<vmem>>, vector<16xf32>,
    %swap3A_13 = arith.constant 64 : index
    %swap3A_14 = tpu.vector_load %arg5[%swap3A_13] {strides = array<i32>} : memref<512xf32, #tpu.memory_space<vmem>>, vector<16xf32>,
    tpu.vector_store %arg5[%swap3A_13], %broadcast_in_dim3A_1 {strides = array<i32>} : memref<512xf32, #tpu.memory_space<vmem>>, vector<16xf32>,
    %swap3A_15 = arith.constant 80 : index
    %swap3A_16 = tpu.vector_load %arg5[%swap3A_15] {strides = array<i32>} : memref<512xf32, #tpu.memory_space<vmem>>, vector<16xf32>,
    tpu.vector_store %arg5[%swap3A_15], %broadcast_in_dim3A_1 {strides = array<i32>} : memref<512xf32, #tpu.memory_space<vmem>>, vector<16xf32>,
    %swap3A_17 = arith.constant 96 : index
    %swap3A_18 = tpu.vector_load %arg5[%swap3A_17] {strides = array<i32>} : memref<512xf32, #tpu.memory_space<vmem>>, vector<16xf32>,
    tpu.vector_store %arg5[%swap3A_17], %broadcast_in_dim3A_1 {strides = array<i32>} : memref<512xf32, #tpu.memory_space<vmem>>, vector<16xf32>,
    %swap3A_19 = arith.constant 112 : index
    %swap3A_20 = tpu.vector_load %arg5[%swap3A_19] {strides = array<i32>} : memref<512xf32, #tpu.memory_space<vmem>>, vector<16xf32>,
    tpu.vector_store %arg5[%swap3A_19], %broadcast_in_dim3A_1 {strides = array<i32>} : memref<512xf32, #tpu.memory_space<vmem>>, vector<16xf32>,
    %swap3A_21 = arith.constant 128 : index
    %swap3A_22 = tpu.vector_load %arg5[%swap3A_21] {strides = array<i32>} : memref<512xf32, #tpu.memory_space<vmem>>, vector<16xf32>,
    tpu.vector_store %arg5[%swap3A_21], %broadcast_in_dim3A_1 {strides = array<i32>} : memref<512xf32, #tpu.memory_space<vmem>>, vector<16xf32>,
    %swap3A_23 = arith.constant 144 : index
    %swap3A_24 = tpu.vector_load %arg5[%swap3A_23] {strides = array<i32>} : memref<512xf32, #tpu.memory_space<vmem>>, vector<16xf32>,
    tpu.vector_store %arg5[%swap3A_23], %broadcast_in_dim3A_1 {strides = array<i32>} : memref<512xf32, #tpu.memory_space<vmem>>, vector<16xf32>,
    %swap3A_25 = arith.constant 160 : index
    %swap3A_26 = tpu.vector_load %arg5[%swap3A_25] {strides = array<i32>} : memref<512xf32, #tpu.memory_space<vmem>>, vector<16xf32>,
    tpu.vector_store %arg5[%swap3A_25], %broadcast_in_dim3A_1 {strides = array<i32>} : memref<512xf32, #tpu.memory_space<vmem>>, vector<16xf32>,
    %swap3A_27 = arith.constant 176 : index
    %swap3A_28 = tpu.vector_load %arg5[%swap3A_27] {strides = array<i32>} : memref<512xf32, #tpu.memory_space<vmem>>, vector<16xf32>,
    tpu.vector_store %arg5[%swap3A_27], %broadcast_in_dim3A_1 {strides = array<i32>} : memref<512xf32, #tpu.memory_space<vmem>>, vector<16xf32>,
    %swap3A_29 = arith.constant 192 : index
    %swap3A_30 = tpu.vector_load %arg5[%swap3A_29] {strides = array<i32>} : memref<512xf32, #tpu.memory_space<vmem>>, vector<16xf32>,
    tpu.vector_store %arg5[%swap3A_29], %broadcast_in_dim3A_1 {strides = array<i32>} : memref<512xf32, #tpu.memory_space<vmem>>, vector<16xf32>,
    %swap3A_31 = arith.constant 208 : index
    %swap3A_32 = tpu.vector_load %arg5[%swap3A_31] {strides = array<i32>} : memref<512xf32, #tpu.memory_space<vmem>>, vector<16xf32>,
    tpu.vector_store %arg5[%swap3A_31], %broadcast_in_dim3A_1 {strides = array<i32>} : memref<512xf32, #tpu.memory_space<vmem>>, vector<16xf32>,
    %swap3A_33 = arith.constant 224 : index
    %swap3A_34 = tpu.vector_load %arg5[%swap3A_33] {strides = array<i32>} : memref<512xf32, #tpu.memory_space<vmem>>, vector<16xf32>,
    tpu.vector_store %arg5[%swap3A_33], %broadcast_in_dim3A_1 {strides = array<i32>} : memref<512xf32, #tpu.memory_space<vmem>>, vector<16xf32>,
    %swap3A_35 = arith.constant 240 : index
    %swap3A_36 = tpu.vector_load %arg5[%swap3A_35] {strides = array<i32>} : memref<512xf32, #tpu.memory_space<vmem>>, vector<16xf32>,
    tpu.vector_store %arg5[%swap3A_35], %broadcast_in_dim3A_1 {strides = array<i32>} : memref<512xf32, #tpu.memory_space<vmem>>, vector<16xf32>,
    %swap3A_37 = arith.constant 256 : index
    %swap3A_38 = tpu.vector_load %arg5[%swap3A_37] {strides = array<i32>} : memref<512xf32, #tpu.memory_space<vmem>>, vector<16xf32>,
    tpu.vector_store %arg5[%swap3A_37], %broadcast_in_dim3A_1 {strides = array<i32>} : memref<512xf32, #tpu.memory_space<vmem>>, vector<16xf32>,
    %swap3A_39 = arith.constant 272 : index
    %swap3A_40 = tpu.vector_load %arg5[%swap3A_39] {strides = array<i32>} : memref<512xf32, #tpu.memory_space<vmem>>, vector<16xf32>,
    tpu.vector_store %arg5[%swap3A_39], %broadcast_in_dim3A_1 {strides = array<i32>} : memref<512xf32, #tpu.memory_space<vmem>>, vector<16xf32>,
    %swap3A_41 = arith.constant 288 : index
    %swap3A_42 = tpu.vector_load %arg5[%swap3A_41] {strides = array<i32>} : memref<512xf32, #tpu.memory_space<vmem>>, vector<16xf32>,
    tpu.vector_store %arg5[%swap3A_41], %broadcast_in_dim3A_1 {strides = array<i32>} : memref<512xf32, #tpu.memory_space<vmem>>, vector<16xf32>,
    %swap3A_43 = arith.constant 304 : index
    %swap3A_44 = tpu.vector_load %arg5[%swap3A_43] {strides = array<i32>} : memref<512xf32, #tpu.memory_space<vmem>>, vector<16xf32>,
    tpu.vector_store %arg5[%swap3A_43], %broadcast_in_dim3A_1 {strides = array<i32>} : memref<512xf32, #tpu.memory_space<vmem>>, vector<16xf32>,
    %swap3A_45 = arith.constant 320 : index
    %swap3A_46 = tpu.vector_load %arg5[%swap3A_45] {strides = array<i32>} : memref<512xf32, #tpu.memory_space<vmem>>, vector<16xf32>,
    tpu.vector_store %arg5[%swap3A_45], %broadcast_in_dim3A_1 {strides = array<i32>} : memref<512xf32, #tpu.memory_space<vmem>>, vector<16xf32>,
    %swap3A_47 = arith.constant 336 : index
    %swap3A_48 = tpu.vector_load %arg5[%swap3A_47] {strides = array<i32>} : memref<512xf32, #tpu.memory_space<vmem>>, vector<16xf32>,
    tpu.vector_store %arg5[%swap3A_47], %broadcast_in_dim3A_1 {strides = array<i32>} : memref<512xf32, #tpu.memory_space<vmem>>, vector<16xf32>,
    %swap3A_49 = arith.constant 352 : index
    %swap3A_50 = tpu.vector_load %arg5[%swap3A_49] {strides = array<i32>} : memref<512xf32, #tpu.memory_space<vmem>>, vector<16xf32>,
    tpu.vector_store %arg5[%swap3A_49], %broadcast_in_dim3A_1 {strides = array<i32>} : memref<512xf32, #tpu.memory_space<vmem>>, vector<16xf32>,
    %swap3A_51 = arith.constant 368 : index
    %swap3A_52 = tpu.vector_load %arg5[%swap3A_51] {strides = array<i32>} : memref<512xf32, #tpu.memory_space<vmem>>, vector<16xf32>,
    tpu.vector_store %arg5[%swap3A_51], %broadcast_in_dim3A_1 {strides = array<i32>} : memref<512xf32, #tpu.memory_space<vmem>>, vector<16xf32>,
    %swap3A_53 = arith.constant 384 : index
    %swap3A_54 = tpu.vector_load %arg5[%swap3A_53] {strides = array<i32>} : memref<512xf32, #tpu.memory_space<vmem>>, vector<16xf32>,
    tpu.vector_store %arg5[%swap3A_53], %broadcast_in_dim3A_1 {strides = array<i32>} : memref<512xf32, #tpu.memory_space<vmem>>, vector<16xf32>,
    %swap3A_55 = arith.constant 400 : index
    %swap3A_56 = tpu.vector_load %arg5[%swap3A_55] {strides = array<i32>} : memref<512xf32, #tpu.memory_space<vmem>>, vector<16xf32>,
    tpu.vector_store %arg5[%swap3A_55], %broadcast_in_dim3A_1 {strides = array<i32>} : memref<512xf32, #tpu.memory_space<vmem>>, vector<16xf32>,
    %swap3A_57 = arith.constant 416 : index
    %swap3A_58 = tpu.vector_load %arg5[%swap3A_57] {strides = array<i32>} : memref<512xf32, #tpu.memory_space<vmem>>, vector<16xf32>,
    tpu.vector_store %arg5[%swap3A_57], %broadcast_in_dim3A_1 {strides = array<i32>} : memref<512xf32, #tpu.memory_space<vmem>>, vector<16xf32>,
    %swap3A_59 = arith.constant 432 : index
    %swap3A_60 = tpu.vector_load %arg5[%swap3A_59] {strides = array<i32>} : memref<512xf32, #tpu.memory_space<vmem>>, vector<16xf32>,
    tpu.vector_store %arg5[%swap3A_59], %broadcast_in_dim3A_1 {strides = array<i32>} : memref<512xf32, #tpu.memory_space<vmem>>, vector<16xf32>,
    %swap3A_61 = arith.constant 448 : index
    %swap3A_62 = tpu.vector_load %arg5[%swap3A_61] {strides = array<i32>} : memref<512xf32, #tpu.memory_space<vmem>>, vector<16xf32>,
    tpu.vector_store %arg5[%swap3A_61], %broadcast_in_dim3A_1 {strides = array<i32>} : memref<512xf32, #tpu.memory_space<vmem>>, vector<16xf32>,
    %swap3A_63 = arith.constant 464 : index
    %swap3A_64 = tpu.vector_load %arg5[%swap3A_63] {strides = array<i32>} : memref<512xf32, #tpu.memory_space<vmem>>, vector<16xf32>,
    tpu.vector_store %arg5[%swap3A_63], %broadcast_in_dim3A_1 {strides = array<i32>} : memref<512xf32, #tpu.memory_space<vmem>>, vector<16xf32>,
    %swap3A_65 = arith.constant 480 : index
    %swap3A_66 = tpu.vector_load %arg5[%swap3A_65] {strides = array<i32>} : memref<512xf32, #tpu.memory_space<vmem>>, vector<16xf32>,
    tpu.vector_store %arg5[%swap3A_65], %broadcast_in_dim3A_1 {strides = array<i32>} : memref<512xf32, #tpu.memory_space<vmem>>, vector<16xf32>,
    %swap3A_67 = arith.constant 496 : index
    %swap3A_68 = tpu.vector_load %arg5[%swap3A_67] {strides = array<i32>} : memref<512xf32, #tpu.memory_space<vmem>>, vector<16xf32>,
    tpu.vector_store %arg5[%swap3A_67], %broadcast_in_dim3A_1 {strides = array<i32>} : memref<512xf32, #tpu.memory_space<vmem>>, vector<16xf32>,
    %scan3A = arith.constant 0 : i32
    %scan3A_69 = arith.constant 0 : i32
    %scan3A_70 = arith.constant 1024 : i32
    %scan3A_71 = arith.addi %scan3A_69, %scan3A_70 : i32
    %scan3A_72 = arith.constant 1 : i32
    %scan3A_73 = scf.for %scan3A_94 = %scan3A_69 to %scan3A_71 step %scan3A_72 iter_args(%scan3A_95 = %scan3A) -> (i32)  : i32 {
      %mul3A_96 = arith.constant 16 : i32
      %mul3A_97 = arith.muli %scan3A_94, %mul3A_96 : i32
      %swap3A_98 = arith.index_cast %mul3A_97 : i32 to index
      %swap3A_99 = tpu.vector_load %arg6[%swap3A_98] {strides = array<i32>} : memref<16384xf32, #tpu.memory_space<vmem>>, vector<16xf32>,
      tpu.vector_store %arg6[%swap3A_98], %broadcast_in_dim3A_3 {strides = array<i32>} : memref<16384xf32, #tpu.memory_space<vmem>>, vector<16xf32>,
      %scan3A_100 = arith.constant 0 : i32
      scf.yield %scan3A_100 : i32
    }
    %scan3A_74 = arith.constant 1024 : i32
    %scan3A_75 = arith.constant 0 : i32
    %scan3A_76 = arith.constant 0 : i32
    %scan3A_77 = arith.constant 4 : i32
    %scan3A_78 = arith.addi %scan3A_76, %scan3A_77 : i32
    %scan3A_79 = arith.constant 1 : i32
    %scan3A_80 = scf.for %scan3A_94 = %scan3A_76 to %scan3A_78 step %scan3A_79 iter_args(%scan3A_95 = %scan3A_75) -> (i32)  : i32 {
      %mul3A_96 = arith.constant 65536 : i32
      %mul3A_97 = arith.muli %arg1, %mul3A_96 : i32
      %mul3A_98 = arith.constant 16384 : i32
      %mul3A_99 = arith.muli %scan3A_94, %mul3A_98 : i32
      %add3A_100 = arith.addi %mul3A_97, %mul3A_99 : i32
      "tpu.region"() ({
        %run_scoped3A = tpu.sem_alloc : memref<!tpu.dma_semaphore, #tpu.memory_space<semaphore_mem>>
        %dma_start3A = tpu.memref_slice %arg7[%add3A_100] : memref<1048576xf32, #tpu.memory_space<vmem_shared>> -> memref<16384xf32, #tpu.memory_space<vmem_shared>>
        %dma_start3A_102 = tpu.memref_slice %arg7[%add3A_100] : memref<1048576xf32, #tpu.memory_space<vmem_shared>> -> memref<16384xf32, #tpu.memory_space<vmem_shared>>
        tpu.enqueue_dma source(%arg6 : memref<16384xf32, #tpu.memory_space<vmem>>) target(%dma_start3A_102 : memref<16384xf32, #tpu.memory_space<vmem_shared>>) target_semaphore(%run_scoped3A : memref<!tpu.dma_semaphore, #tpu.memory_space<semaphore_mem>>)
        %dma_wait3A = tpu.memref_slice %arg7[%add3A_100] : memref<1048576xf32, #tpu.memory_space<vmem_shared>> -> memref<16384xf32, #tpu.memory_space<vmem_shared>>
        %dma_wait3A_103 = tpu.memref_slice %arg7[%add3A_100] : memref<1048576xf32, #tpu.memory_space<vmem_shared>> -> memref<16384xf32, #tpu.memory_space<vmem_shared>>
        tpu.wait_dma2 semaphore(%run_scoped3A : memref<!tpu.dma_semaphore, #tpu.memory_space<semaphore_mem>>) src(%arg6 : memref<16384xf32, #tpu.memory_space<vmem>>) dst(%dma_wait3A_103 : memref<16384xf32, #tpu.memory_space<vmem_shared>>)
        tpu.yield
      }) : () -> ()
      %scan3A_101 = arith.constant 0 : i32
      scf.yield %scan3A_101 : i32
    }
    %scan3A_81 = arith.constant 4 : i32
    %barrier3A = arith.constant 0 : index
    tpu.barrier barrier_id(%barrier3A)
    %scan3A_82 = arith.constant 0 : i32
    %scan3A_83 = arith.constant 0 : i32
    %scan3A_84 = arith.constant 50 : i32
    %scan3A_85 = arith.addi %scan3A_83, %scan3A_84 : i32
    %scan3A_86 = arith.constant 1 : i32
    %scan3A_87 = scf.for %scan3A_94 = %scan3A_83 to %scan3A_85 step %scan3A_86 iter_args(%scan3A_95 = %scan3A_82) -> (i32)  : i32 {
      "tpu.region"() ({
        %run_scoped3A = tpu.sem_alloc : memref<!tpu.dma_semaphore, #tpu.memory_space<semaphore_mem>>
        %dma_start3A = arith.constant 0 : i32
        %dma_start3A_97 = tpu.memref_slice %arg4[%scan3A_94, %dma_start3A] : memref<50x512xi32, #tpu.memory_space<vmem>> -> memref<1x512xi32, #tpu.memory_space<vmem>>
        %dma_start3A_98 = tpu.memref_squeeze %dma_start3A_97 : memref<1x512xi32, #tpu.memory_space<vmem>> -> memref<512xi32, #tpu.memory_space<vmem>>
        %dma_start3A_99 = arith.constant 0 : i32
        %dma_start3A_100 = tpu.memref_slice %arg7[%dma_start3A_99] : memref<1048576xf32, #tpu.memory_space<vmem_shared>> -> memref<1048576xf32, #tpu.memory_space<vmem_shared>>
        tpu.enqueue_indirect_dma source(%arg5 : memref<512xf32, #tpu.memory_space<vmem>>) target(%dma_start3A_100 : memref<1048576xf32, #tpu.memory_space<vmem_shared>>) offsets(%dma_start3A_98 : memref<512xi32, #tpu.memory_space<vmem>>) semaphore(%run_scoped3A : memref<!tpu.dma_semaphore, #tpu.memory_space<semaphore_mem>>) {add = true}
        %dma_wait3A = arith.constant 0 : i32
        %dma_wait3A_101 = tpu.memref_slice %arg4[%scan3A_94, %dma_wait3A] : memref<50x512xi32, #tpu.memory_space<vmem>> -> memref<1x512xi32, #tpu.memory_space<vmem>>
        %dma_wait3A_102 = tpu.memref_squeeze %dma_wait3A_101 : memref<1x512xi32, #tpu.memory_space<vmem>> -> memref<512xi32, #tpu.memory_space<vmem>>
        %dma_wait3A_103 = arith.constant 0 : i32
        %dma_wait3A_104 = tpu.memref_slice %arg7[%dma_wait3A_103] : memref<1048576xf32, #tpu.memory_space<vmem_shared>> -> memref<1048576xf32, #tpu.memory_space<vmem_shared>>
        tpu.wait_indirect_dma semaphore(%run_scoped3A : memref<!tpu.dma_semaphore, #tpu.memory_space<semaphore_mem>>) src(%arg5 : memref<512xf32, #tpu.memory_space<vmem>>) dst(%dma_wait3A_104 : memref<1048576xf32, #tpu.memory_space<vmem_shared>>)
        tpu.yield
      }) : () -> ()
      %scan3A_96 = arith.constant 0 : i32
      scf.yield %scan3A_96 : i32
    }
    %scan3A_88 = arith.constant 50 : i32
    %barrier3A_89 = arith.constant 0 : index
    tpu.barrier barrier_id(%barrier3A_89)
    %mul3A_90 = arith.constant 65536 : i32
    %mul3A_91 = arith.muli %arg1, %mul3A_90 : i32
    %mul3A_92 = arith.constant 65536 : i32
    %mul3A_93 = arith.muli %arg1, %mul3A_92 : i32
    "tpu.region"() ({
      %run_scoped3A = tpu.sem_alloc : memref<!tpu.dma_semaphore, #tpu.memory_space<semaphore_mem>>
      %dma_start3A = tpu.memref_slice %arg3[%arg0, %mul3A_93] : memref<2x1048576xf32, #tpu.memory_space<hbm>> -> memref<1x65536xf32, #tpu.memory_space<hbm>>
      %dma_start3A_94 = tpu.memref_squeeze %dma_start3A : memref<1x65536xf32, #tpu.memory_space<hbm>> -> memref<65536xf32, #tpu.memory_space<hbm>>
      %dma_start3A_95 = tpu.memref_slice %arg7[%mul3A_91] : memref<1048576xf32, #tpu.memory_space<vmem_shared>> -> memref<65536xf32, #tpu.memory_space<vmem_shared>>
      tpu.enqueue_dma source(%dma_start3A_95 : memref<65536xf32, #tpu.memory_space<vmem_shared>>) target(%dma_start3A_94 : memref<65536xf32, #tpu.memory_space<hbm>>) target_semaphore(%run_scoped3A : memref<!tpu.dma_semaphore, #tpu.memory_space<semaphore_mem>>)
      %dma_wait3A = tpu.memref_slice %arg3[%arg0, %mul3A_93] : memref<2x1048576xf32, #tpu.memory_space<hbm>> -> memref<1x65536xf32, #tpu.memory_space<hbm>>
      %dma_wait3A_96 = tpu.memref_squeeze %dma_wait3A : memref<1x65536xf32, #tpu.memory_space<hbm>> -> memref<65536xf32, #tpu.memory_space<hbm>>
      %dma_wait3A_97 = tpu.memref_slice %arg7[%mul3A_91] : memref<1048576xf32, #tpu.memory_space<vmem_shared>> -> memref<65536xf32, #tpu.memory_space<vmem_shared>>
      tpu.wait_dma2 semaphore(%run_scoped3A : memref<!tpu.dma_semaphore, #tpu.memory_space<semaphore_mem>>) src(%dma_wait3A_97 : memref<65536xf32, #tpu.memory_space<vmem_shared>>) dst(%dma_wait3A_96 : memref<65536xf32, #tpu.memory_space<hbm>>)
      tpu.yield
    }) : () -> ()
    return
  }
}

module attributes {stable_mosaic.version = 14 : i64} {
  func.func @_tcsum(%arg0: i32, %arg1: memref<2x2048x128xf32, #tpu.memory_space<vmem>>, %arg2: memref<6x2048x128xf32, #tpu.memory_space<vmem>>, %arg3: memref<8x128xf32, #tpu.memory_space<vmem>>) attributes {dimension_semantics = [#tpu.dimension_semantics<arbitrary>], iteration_bounds = array<i64: 4>, scalar_prefetch = 0 : i64, scratch_operands = 0 : i64, tpu.core_type = #tpu.core_type<tc>, window_params = [{transform_indices = @transform_0, window_bounds = array<i64: 2, 2048, 128>}, {transform_indices = @transform_1, window_bounds = array<i64: 6, 2048, 128>}, {pipeline_mode = #tpu.pipeline_mode<synchronous>, transform_indices = @transform_2, window_bounds = array<i64: 8, 128>}]} {
    %eq3A = arith.constant 0 : i32
    %eq3A_0 = arith.cmpi eq, %arg0, %eq3A : i32
    %convert_element_type3A = arith.extui %eq3A_0 : i1 to i32
    %cond3A = arith.constant 0 : i32
    %cond3A_1 = arith.cmpi ne, %convert_element_type3A, %cond3A : i32
    scf.if %cond3A_1 {
      %broadcast_in_dim3A_70 = arith.constant 0.000000e+00 : f32
      %broadcast_in_dim3A_71 = vector.broadcast %broadcast_in_dim3A_70 : f32 to vector<8x128xf32>
      %swap3A_72 = arith.constant 0 : index
      %swap3A_73 = arith.constant 0 : index
      %swap3A_74 = vector.load %arg3[%swap3A_72, %swap3A_73] : memref<8x128xf32, #tpu.memory_space<vmem>>, vector<8x128xf32>
      tpu.vector_store %arg3[%swap3A_72, %swap3A_73], %broadcast_in_dim3A_71 {strides = array<i32>} : memref<8x128xf32, #tpu.memory_space<vmem>>, vector<8x128xf32>,
    } else {
    }
    %get3A = arith.constant 0 : index
    %get3A_2 = arith.constant 0 : index
    %get3A_3 = arith.constant 0 : index
    %get3A_4 = vector.load %arg1[%get3A, %get3A_2, %get3A_3] : memref<2x2048x128xf32, #tpu.memory_space<vmem>>, vector<1x2048x128xf32>
    %get3A_5 = vector.shape_cast %get3A_4 : vector<1x2048x128xf32> to vector<2048x128xf32>
    %get3A_6 = arith.constant 1 : index
    %get3A_7 = arith.constant 0 : index
    %get3A_8 = arith.constant 0 : index
    %get3A_9 = vector.load %arg1[%get3A_6, %get3A_7, %get3A_8] : memref<2x2048x128xf32, #tpu.memory_space<vmem>>, vector<1x2048x128xf32>
    %get3A_10 = vector.shape_cast %get3A_9 : vector<1x2048x128xf32> to vector<2048x128xf32>
    %add3A = arith.addf %get3A_5, %get3A_10 : vector<2048x128xf32>
    %get3A_11 = arith.constant 0 : index
    %get3A_12 = arith.constant 0 : index
    %get3A_13 = arith.constant 0 : index
    %get3A_14 = vector.load %arg2[%get3A_11, %get3A_12, %get3A_13] : memref<6x2048x128xf32, #tpu.memory_space<vmem>>, vector<1x2048x128xf32>
    %get3A_15 = vector.shape_cast %get3A_14 : vector<1x2048x128xf32> to vector<2048x128xf32>
    %mul3A = arith.mulf %add3A, %get3A_15 : vector<2048x128xf32>
    %reduce_sum3A = arith.constant dense<0.000000e+00> : vector<128xf32>
    %reduce_sum3A_16 = vector.multi_reduction <add>, %mul3A, %reduce_sum3A [0] : vector<2048x128xf32> to vector<128xf32>
    %broadcast_in_dim3A = vector.shape_cast %reduce_sum3A_16 : vector<128xf32> to vector<1x128xf32>
    %get3A_17 = arith.constant 1 : index
    %get3A_18 = arith.constant 0 : index
    %get3A_19 = arith.constant 0 : index
    %get3A_20 = vector.load %arg2[%get3A_17, %get3A_18, %get3A_19] : memref<6x2048x128xf32, #tpu.memory_space<vmem>>, vector<1x2048x128xf32>
    %get3A_21 = vector.shape_cast %get3A_20 : vector<1x2048x128xf32> to vector<2048x128xf32>
    %mul3A_22 = arith.mulf %add3A, %get3A_21 : vector<2048x128xf32>
    %reduce_sum3A_23 = arith.constant dense<0.000000e+00> : vector<128xf32>
    %reduce_sum3A_24 = vector.multi_reduction <add>, %mul3A_22, %reduce_sum3A_23 [0] : vector<2048x128xf32> to vector<128xf32>
    %broadcast_in_dim3A_25 = vector.shape_cast %reduce_sum3A_24 : vector<128xf32> to vector<1x128xf32>
    %get3A_26 = arith.constant 2 : index
    %get3A_27 = arith.constant 0 : index
    %get3A_28 = arith.constant 0 : index
    %get3A_29 = vector.load %arg2[%get3A_26, %get3A_27, %get3A_28] : memref<6x2048x128xf32, #tpu.memory_space<vmem>>, vector<1x2048x128xf32>
    %get3A_30 = vector.shape_cast %get3A_29 : vector<1x2048x128xf32> to vector<2048x128xf32>
    %mul3A_31 = arith.mulf %add3A, %get3A_30 : vector<2048x128xf32>
    %reduce_sum3A_32 = arith.constant dense<0.000000e+00> : vector<128xf32>
    %reduce_sum3A_33 = vector.multi_reduction <add>, %mul3A_31, %reduce_sum3A_32 [0] : vector<2048x128xf32> to vector<128xf32>
    %broadcast_in_dim3A_34 = vector.shape_cast %reduce_sum3A_33 : vector<128xf32> to vector<1x128xf32>
    %get3A_35 = arith.constant 3 : index
    %get3A_36 = arith.constant 0 : index
    %get3A_37 = arith.constant 0 : index
    %get3A_38 = vector.load %arg2[%get3A_35, %get3A_36, %get3A_37] : memref<6x2048x128xf32, #tpu.memory_space<vmem>>, vector<1x2048x128xf32>
    %get3A_39 = vector.shape_cast %get3A_38 : vector<1x2048x128xf32> to vector<2048x128xf32>
    %mul3A_40 = arith.mulf %add3A, %get3A_39 : vector<2048x128xf32>
    %reduce_sum3A_41 = arith.constant dense<0.000000e+00> : vector<128xf32>
    %reduce_sum3A_42 = vector.multi_reduction <add>, %mul3A_40, %reduce_sum3A_41 [0] : vector<2048x128xf32> to vector<128xf32>
    %broadcast_in_dim3A_43 = vector.shape_cast %reduce_sum3A_42 : vector<128xf32> to vector<1x128xf32>
    %get3A_44 = arith.constant 4 : index
    %get3A_45 = arith.constant 0 : index
    %get3A_46 = arith.constant 0 : index
    %get3A_47 = vector.load %arg2[%get3A_44, %get3A_45, %get3A_46] : memref<6x2048x128xf32, #tpu.memory_space<vmem>>, vector<1x2048x128xf32>
    %get3A_48 = vector.shape_cast %get3A_47 : vector<1x2048x128xf32> to vector<2048x128xf32>
    %mul3A_49 = arith.mulf %add3A, %get3A_48 : vector<2048x128xf32>
    %reduce_sum3A_50 = arith.constant dense<0.000000e+00> : vector<128xf32>
    %reduce_sum3A_51 = vector.multi_reduction <add>, %mul3A_49, %reduce_sum3A_50 [0] : vector<2048x128xf32> to vector<128xf32>
    %broadcast_in_dim3A_52 = vector.shape_cast %reduce_sum3A_51 : vector<128xf32> to vector<1x128xf32>
    %get3A_53 = arith.constant 5 : index
    %get3A_54 = arith.constant 0 : index
    %get3A_55 = arith.constant 0 : index
    %get3A_56 = vector.load %arg2[%get3A_53, %get3A_54, %get3A_55] : memref<6x2048x128xf32, #tpu.memory_space<vmem>>, vector<1x2048x128xf32>
    %get3A_57 = vector.shape_cast %get3A_56 : vector<1x2048x128xf32> to vector<2048x128xf32>
    %mul3A_58 = arith.mulf %add3A, %get3A_57 : vector<2048x128xf32>
    %reduce_sum3A_59 = arith.constant dense<0.000000e+00> : vector<128xf32>
    %reduce_sum3A_60 = vector.multi_reduction <add>, %mul3A_58, %reduce_sum3A_59 [0] : vector<2048x128xf32> to vector<128xf32>
    %broadcast_in_dim3A_61 = vector.shape_cast %reduce_sum3A_60 : vector<128xf32> to vector<1x128xf32>
    %broadcast_in_dim3A_62 = arith.constant 0.000000e+00 : f32
    %broadcast_in_dim3A_63 = vector.broadcast %broadcast_in_dim3A_62 : f32 to vector<2x128xf32>
    %get3A_64 = arith.constant 0 : index
    %get3A_65 = arith.constant 0 : index
    %get3A_66 = vector.load %arg3[%get3A_64, %get3A_65] : memref<8x128xf32, #tpu.memory_space<vmem>>, vector<8x128xf32>
    %concatenate3A = tpu.concatenate %broadcast_in_dim3A, %broadcast_in_dim3A_25, %broadcast_in_dim3A_34, %broadcast_in_dim3A_43, %broadcast_in_dim3A_52, %broadcast_in_dim3A_61, %broadcast_in_dim3A_63 in 0 : vector<1x128xf32>, vector<1x128xf32>, vector<1x128xf32>, vector<1x128xf32>, vector<1x128xf32>, vector<1x128xf32>, vector<2x128xf32> -> vector<8x128xf32>
    %add3A_67 = arith.addf %get3A_66, %concatenate3A : vector<8x128xf32>
    %swap3A = arith.constant 0 : index
    %swap3A_68 = arith.constant 0 : index
    %swap3A_69 = vector.load %arg3[%swap3A, %swap3A_68] : memref<8x128xf32, #tpu.memory_space<vmem>>, vector<8x128xf32>
    tpu.vector_store %arg3[%swap3A, %swap3A_68], %add3A_67 {strides = array<i32>} : memref<8x128xf32, #tpu.memory_space<vmem>>, vector<8x128xf32>,
    return
  }
  func.func @transform_0(%arg0: i32) -> (i32, i32, i32) {
    %c0_i32 = arith.constant 0 : i32
    %c0_i32_0 = arith.constant 0 : i32
    %c0_i32_1 = arith.constant 0 : i32
    return %c0_i32, %arg0, %c0_i32_0 : i32, i32, i32
  }
  func.func @transform_1(%arg0: i32) -> (i32, i32, i32) {
    %c0_i32 = arith.constant 0 : i32
    %c0_i32_0 = arith.constant 0 : i32
    %c0_i32_1 = arith.constant 0 : i32
    return %c0_i32, %arg0, %c0_i32_0 : i32, i32, i32
  }
  func.func @transform_2(%arg0: i32) -> (i32, i32) {
    %c0_i32 = arith.constant 0 : i32
    %c0_i32_0 = arith.constant 0 : i32
    %c0_i32_1 = arith.constant 0 : i32
    return %c0_i32, %c0_i32_0 : i32, i32
  }
}

</mosaic_0001>

<sc_bundles>
// kernel: kernel.4.cloned.1.call-start
scs
__scs_entry_jumppad:
0x0: {  	(pc) =	sbr.rel $0x88, $3  }
0x1: {  	(tag) =	ssettag $0x0;
	lr =	simm.s32 $0x1  }
0x2: {  	[smem:$0x3F9C] =	sst lr;
	_ =	strace $0xD0000000  }
0x3: {  	_ = 	snop  }
0x4: {  	_ = 	snop  }
0x5: {  	_ = 	snop  }
0x6: {  	_ = 	snop  }
0x7: {  	_ = 	snop  }
__scs_overlays_trampoline_lowered:
0x8: {  	[smem:$0x3FAB] =	sst s0  }
0x9: {  	[smem:$0x3FAC] =	sst s1  }
0xa: {  	[smem:$0x3FAD] =	sst s2  }
0xb: {  	[smem:$0x3FAE] =	sst s3  }
0xc: {  	[smem:$0x3FAF] =	sst s4  }
0xd: {  	[smem:$0x3FB0] =	sst s5  }
0xe: {  	[smem:$0x3FB1] =	sst s6  }
0xf: {  	[smem:$0x3FB2] =	sst s7  }
0x10: {  	[smem:$0x3FB3] =	sst s8  }
0x11: {  	[smem:$0x3FB4] =	sst s9;
	s0 =	simm.s32 @!p0 $0x0  }
0x12: {  	s1 =	sld [smem:$0x3F9A];
	s0 =	simm.s32 @p0 $0x1  }
0x13: {  	[smem:$0x3FB5] =	sst s0;
	s0 =	simm.s32 @!p1 $0x0  }
0x14: {  	s2 =	sld [smem:$0x3F99];
	s0 =	simm.s32 @p1 $0x1  }
0x15: {  	[smem:$0x3FB6] =	sst s0;
	s0 =	simm.s32 @!p2 $0x0  }
0x16: {  	s3 =	sld [smem:$0x3FDB];
	s0 =	simm.s32 @p2 $0x1  }
0x17: {  	s4 =	simm.s32 $0x1BF5;
	[smem:$0x3FB8] =	sst s0  }
0x18: {  	s0 =	sld [smem:$0x3F9B];
	_ =	swait.ge [sflag:s4], $0x0  }
0x19: {  	s7 =	sld [smem:$0x3F9C]  }
0x1a: {  	s8 =	sadd.s32 $0xFFFFE003, lr  }
0x1b: {  	s9 =	sadd.s32 $0xFFFFFEF7, lr;
	s5 =	simm.s32 $0xFFFFFFFF;
	p2 =	slt.u32 s8, $0xFFFFF086  }
0x1c: {  	p1 =	slt.u32 s9, $0xF7A;
	s5 =	simm.s32 @!p2 $0x0  }
0x1d: {  	s5 =	simm.s32 @p1 $0x1;
	p0 =	seq.s32 s7, s2  }
0x1e: {  	s7 =	smul.u32 @!p0 $0xF7A, s2;
	p2 =	seq.s32 @!p0 s5, $0x0  }
0x1f: {  	s9 =	smul.u32 $0xF7A, s1;
	s8 =	simm.s32 @!p0 $0x1BF5;
	p2 =	por !p2, p0  }
0x20: {  	[sflag:s8] =	ssyncset.s32 @!p0 $0xFFFFF086;
	s6 =	sadd.s32 @!p0 s3, s7;
	s7 =	simm.s32 @!p0 $0x108  }
0x21: {  	s3 =	sadd.s32 s3, s9;
	s6 =	sadd.s32 @!p0 $0x88, s6;
	s7 =	simm.s32 @p2 $0x1082  }
0x22: {  	[simem:s7], [sflag:s8] =	dma.local @!p0 [hbm:s6], $0xF7A  }
0x23: {  	s9 =	sor.u32 $0xD0000000, s2;
	s6 =	simm.s32 $0x108;
	_ =	swait.ge @!p0 [sflag:s8], $0x0  }
0x24: {  	s3 =	sadd.s32 $0x88, s3;
	s6 =	simm.s32 @!p1 $0x1082;
	[sflag:s4] =	ssyncset.s32 $0xFFFFF086  }
0x25: {  	[simem:s6], [sflag:s4] =	dma.local [hbm:s3], $0xF7A  }
0x26: {  	[smem:$0x3F9C] =	sst s1;
	(tag) =	ssettag s2;
	_ =	strace s9  }
0x27: {  	s1 =	sld [smem:$0x3FAC]  }
0x28: {  	s2 =	sld [smem:$0x3FAD]  }
0x29: {  	s4 =	sld [smem:$0x3FAF]  }
0x2a: {  	p0 =	seq.s32 s5, $0x0;
	s5 =	sld [smem:$0x3FB0]  }
0x2b: {  	s6 =	sld [smem:$0x3FB1]  }
0x2c: {  	s7 =	sld [smem:$0x3FB2]  }
0x2d: {  	s3 =	simm.s32 $0x108;
	s8 =	sld [smem:$0x3FB3]  }
0x2e: {  	s3 =	simm.s32 @!p0 $0x1082;
	s9 =	sld [smem:$0x3FB4]  }
0x2f: {  	lr =	sadd.s32 s0, s3;
	s0 =	sld [smem:$0x3FAB]  }
0x30: {  	s3 =	sld [smem:$0x3FAE]  }
0x31: {  	[smem:$0x3FB7] =	sst s10  }
0x32: {  	s10 =	sld [smem:$0x3FB5];
	_ =	sdelay $0x3  }
0x33: {  	p0 =	seq.s32 s10, $0x1;
	s10 =	sld [smem:$0x3FB7];
	_ =	sdelay $0x3  }
0x34: {  	[smem:$0x3FB7] =	sst s10  }
0x35: {  	s10 =	sld [smem:$0x3FB6];
	_ =	sdelay $0x3  }
0x36: {  	p1 =	seq.s32 s10, $0x1;
	s10 =	sld [smem:$0x3FB7];
	_ =	sdelay $0x3  }
0x37: {  	[smem:$0x3FB7] =	sst s10  }
0x38: {  	s10 =	sld [smem:$0x3FB8]  }
0x39: {  	_ = 	snop;
	(pc) =	sbr.ind lr, $3  }
0x3a: {  	_ = 	snop  }
0x3b: {  	_ = 	snop  }
0x3c: {  	p2 =	seq.s32 s10, $0x1;
	s10 =	sld [smem:$0x3FB7]  }
0x3d: {  	_ =	shalt  }
0x3e: {  	_ =	shalt  }
0x3f: {  	_ =	shalt  }
0x40: {  	_ =	shalt  }
0x41: {  	_ =	shalt  }
0x42: {  	_ =	shalt  }
0x43: {  	_ =	shalt  }
0x44: {  	_ =	shalt  }
0x45: {  	_ =	shalt  }
0x46: {  	_ =	shalt  }
0x47: {  	_ =	shalt  }
0x48: {  	_ =	shalt  }
0x49: {  	_ =	shalt  }
0x4a: {  	_ =	shalt  }
0x4b: {  	_ =	shalt  }
0x4c: {  	_ =	shalt  }
0x4d: {  	_ =	shalt  }
0x4e: {  	_ =	shalt  }
0x4f: {  	_ =	shalt  }
0x50: {  	_ =	shalt  }
0x51: {  	_ =	shalt  }
0x52: {  	_ =	shalt  }
0x53: {  	_ =	shalt  }
0x54: {  	_ =	shalt  }
0x55: {  	_ =	shalt  }
0x56: {  	_ =	shalt  }
0x57: {  	_ =	shalt  }
0x58: {  	_ =	shalt  }
0x59: {  	_ =	shalt  }
0x5a: {  	_ =	shalt  }
0x5b: {  	_ =	shalt  }
0x5c: {  	_ =	shalt  }
0x5d: {  	_ =	shalt  }
0x5e: {  	_ =	shalt  }
0x5f: {  	_ =	shalt  }
0x60: {  	_ =	shalt  }
0x61: {  	_ =	shalt  }
0x62: {  	_ =	shalt  }
0x63: {  	_ =	shalt  }
0x64: {  	_ =	shalt  }
0x65: {  	_ =	shalt  }
0x66: {  	_ =	shalt  }
0x67: {  	_ =	shalt  }
0x68: {  	_ =	shalt  }
0x69: {  	_ =	shalt  }
0x6a: {  	_ =	shalt  }
0x6b: {  	_ =	shalt  }
0x6c: {  	_ =	shalt  }
0x6d: {  	_ =	shalt  }
0x6e: {  	_ =	shalt  }
0x6f: {  	_ =	shalt  }
0x70: {  	_ =	shalt  }
0x71: {  	_ =	shalt  }
0x72: {  	_ =	shalt  }
0x73: {  	_ =	shalt  }
0x74: {  	_ =	shalt  }
0x75: {  	_ =	shalt  }
0x76: {  	_ =	shalt  }
0x77: {  	_ =	shalt  }
0x78: {  	_ =	shalt  }
0x79: {  	_ =	shalt  }
0x7a: {  	_ =	shalt  }
0x7b: {  	_ =	shalt  }
0x7c: {  	_ =	shalt  }
0x7d: {  	_ =	shalt  }
0x7e: {  	_ =	shalt  }
0x7f: {  	_ =	shalt  }
0x80: {  	_ =	shalt  }
0x81: {  	_ =	shalt  }
0x82: {  	_ =	shalt  }
0x83: {  	_ =	shalt  }
0x84: {  	_ =	shalt  }
0x85: {  	_ =	shalt  }
0x86: {  	_ =	shalt  }
0x87: {  	_ =	shalt  }
.Lfunc_end0:
.L_simem_size_0:
called_computation_lowered:
.L_overlay_start_0:
0x88: {  	s2 =	sld [smem:$0x3FD9]  }
0x89: {  	s3 =	sld [smem:$0x3FFE];
	_ =	sdelay $0x1  }
0x8a: {  	s1 =	srdreg.scid  }
0x8b: {  	s0 =	sand.u32 $0x1, s1  }
0x8c: {  	s17 =	sshll.u32 s0, $0xA;
	s2 =	sadd.s32 s3, s2  }
0x8d: {  	s2 =	sadd.s32 s2, s17  }
0x8e: {  	[smem:$0x3FC3] =	sst s2  }
0x8f: {  	_ = 	snop  }
0x90: {  	s2 =	sld [smem:$0x3FC9];
	(tm) =	ssettm $0x1  }
0x91: {  	s18 =	sld [smem:$0x3FFB];
	_ =	sdelay $0x3  }
0x92: {  	_ =	strace s18  }
0x93: {  	s3 =	sld [smem:$0x3FFC];
	_ =	sdelay $0x3  }
0x94: {  	_ =	strace s3  }
0x95: {  	s3 =	sld [smem:$0x3FFD];
	_ =	sdelay $0x3  }
0x96: {  	_ =	strace s3  }
0x97: {  	_ =	strace $0x8FFFFFFF  }
0x98: {  	s19 =	sld [smem:$0x3FDB];
	_ =	sdelay $0x1  }
0x99: {  	s4 =	simm.s32 $_scs_section_size  }
0x9a: {  	s5 =	simm.s32 $_size__tile_overlayer_lowered;
	s6 =	simm.s32 $_tile_overlayer_lowered  }
0x9b: {  	s22 =	simm.s32 $0x1BFF;
	s21 =	sshll.u32 s6, $0x1;
	s3 =	sadd.s32 s4, s19  }
0x9c: {  	s7 =	simm.s32 $0x0;
	s20 =	sshll.u32 s5, $0x1;
	s5 =	sadd.s32 s21, s3  }
0x9d: {  	[timem:s7], [sflag:s22] =	dma.local [hbm:s5], s20  }
0x9e: {  	_ =	swait.ge [sflag:s22], s20  }
0x9f: {  	s4 =	ssub.s32 $0x0, s20;
	[sflag:s22] =	ssyncset.done $0x0  }
0xa0: {  	[sflag:s22] =	ssyncadd.s32 s4;
	_ =	sdelay $0x1  }
0xa1: {  	s23 =	simm.s32 $0x1B8B  }
0xa2: {  	_ =	swait.ge [sflag:s23], $0x1  }
0xa3: {  	[sflag:s23] =	ssyncset.done $0x0  }
0xa4: {  	s25 =	simm.s32 $0x1B8E;
	s24 =	sld [smem:$0x3FFE];
	[sflag:s23] =	ssyncadd.s32 $0xFFFFFFFF  }
0xa5: {  	s26 =	simm.s32 $execute0_lowered;
	[smem:$0x3FD2] =	sst s25  }
0xa6: {  	s5 =	sshll.u32 s26, $0x1;
	_ =	strace $0x80000046;
	[dreg:$0x1] =	wrdreg $0xFFFFFFFF  }
0xa7: {  	s28 =	simm.s32 $_size_execute0_lowered;
	s3 =	sadd.s32 s3, s5;
	[dreg:$0x0] =	wrdreg $0x0  }
0xa8: {  	s5 =	sshll.u32 s28, $0x1;
	[dreg:$0x2] =	wrdreg s3  }
0xa9: {  	[dreg:$0x3] =	wrdreg s5  }
0xaa: {  	[dreg:$0x4] =	wrdreg $0xC0  }
0xab: {  	_ =	task [dreg:s7], $0x5FFFF  }
0xac: {  	[dreg:$0x1] =	wrdreg $0xFFFFFFFF  }
0xad: {  	[dreg:$0x0] =	wrdreg $0x60  }
0xae: {  	[dreg:$0x2] =	wrdreg s2  }
0xaf: {  	[dreg:$0x3] =	wrdreg s24  }
0xb0: {  	[dreg:$0x4] =	wrdreg $0xA6000  }
0xb1: {  	[dreg:$0x5] =	wrdreg $0x9  }
0xb2: {  	_ =	task.clear_ibuf [dreg:s7], $0x6FFFF;
	_ =	strace $0x90000046  }
0xb3: {  	s29 =	simm.s32 $0x9;
	_ =	strace $0x80000048  }
0xb4: {  	_ =	swait.ge [sflag:s29], $0x1  }
0xb5: {  	[sflag:s29] =	ssyncadd.s32 $0xFFFFFFFF  }
0xb6: {  	_ =	strace $0x90000048  }
0xb7: {  	_ =	sfence  }
0xb8: {  	s30 =	sld [smem:$0x0];
	_ =	sdelay $0x2  }
0xb9: {  	s31 =	sshll.u32 s1, $0xD;
	s1 =	sshrl.u32 s1, $0x2  }
0xba: {  	s3 =	sand.u32 $0x4000, s31;
	s1 =	sadd.s32 s1, s30  }
0xbb: {  	s0 =	sor.u32 s3, s0;
	s1 =	sshll.u32 s1, $0x11  }
0xbc: {  	s0 =	sor.u32 s1, s0  }
0xbd: {  	s0 =	sadd.s32 $0x8F2B, s0  }
0xbe: {  	[sflag:s0] =	ssyncadd.remote.s32 $0x1  }
0xbf: {  	_ =	sfence.sel $0xFFFF  }
0xc0: {  	[dreg:$0x0] =	wrdreg $0xFFFFFFFF;
	(pc) =	sbr.abs _section_cstart, $3  }
0xc1: {  	[dreg:$0x1] =	wrdreg $0xFFFFFFFF  }
0xc2: {  	_ =	task.clear_ibuf [dreg:s7], $0x2FFFF;
	_ =	strace $0x9FFFFFFF  }
0xc3: {  	(tm) =	ssettm $0x7FFFFFFF  }
tec
execute0_lowered:
.L_overlay_start_1:
0x0: {  	(tag) =	ssettag $0x1  }
0x1: {  	s4 =	rddreg [dreg:$0x0]  }
0x2: {  	s6 =	rddreg [dreg:$0x1]  }
0x3: {  	s2 =	rddreg [dreg:$0x2]  }
0x4: {  	s0 =	rddreg [dreg:$0x3];
	s5 =	srdreg.scid  }
0x5: {  	s3 =	simm.s32 $0x0;
	s1 =	stileid.u32;
	s11 =	simm.s32 $0x1  }
0x6: {  	s12 =	simm.s32 $0x6600;
	s13 =	simm.s32 $0x200;
	s14 =	simm.s32 $0x6400  }
0x7: {  	s17 =	simm.s32 $0x0;
	s5 =	sand.u32 $0x1, s5;
	[smem:$0x7FF] =	sst s3  }
0x8: {  	s8 =	sshll.u32 s1, $0x1;
	s9 =	sshll.u32 s1, $0x10;
	s15 =	sshll.u32 s1, $0x6  }
0x9: {  	s7 =	ssub.s32 $0x2, s5;
	s8 =	sor.u32 s5, s8;
	s5 =	sshll.u32 s5, $0x14  }
0xa: {  	_ =	strace $0x80000047;
	s10 =	sshrl.u32 s7, $0x1;
	s8 =	smul.u32 $0xC80, s8  }
0xb: {  	s15 =	sor.u32 $0x1C01, s15;
	s5 =	sor.u32 s9, s5;
	s7 =	ssub.s32 s7, s10  }
0xc: {  	s31 =	sshrl.u32 s5, $0x3;
	s5 =	sadd.s32 s9, s2;
	s4 =	sadd.s32 s4, s8  }
0xd: {  	s6 =	sadd.s32 s6, s31;
	s7 =	smax.u32 s7, $0x1;
	s8 =	sadd.s32 $0x4000, s5  }
0xe: {  	v0 =	vimm.f32 $1.000000000e+00;
	v1 =	vimm.f32 $0.0e+00;
	s9 =	sadd.s32 $0x8000, s5;
	s10 =	sadd.s32 $0xC000, s5;
	s16 =	sshrl.u32 s5, $0x3  }
.LBB2_1:
0xf: {  	[tilespmem:s3], [sflag:$0x1] =	stream.linear.gather [hbm4b:s4+s3], $0x6400, $0x38;
	[tilespmem:$0x1A600] =	vst v63  }
0x10: {  	_ =	swait.ge [sflag:s11], $0x6400  }
0x11: {  	[sflag:s11] =	ssyncset.done $0x0  }
0x12: {  	[sflag:s11] =	ssyncadd.s32 $0xFFFF9C00  }
0x13: {  	[tilespmem:$0x6400] =	vst v0  }
0x14: {  	[tilespmem:$0x6410] =	vst v0  }
0x15: {  	[tilespmem:$0x6420] =	vst v0  }
0x16: {  	[tilespmem:$0x6430] =	vst v0  }
0x17: {  	[tilespmem:$0x6440] =	vst v0  }
0x18: {  	[tilespmem:$0x6450] =	vst v0  }
0x19: {  	[tilespmem:$0x6460] =	vst v0  }
0x1a: {  	[tilespmem:$0x6470] =	vst v0  }
0x1b: {  	[tilespmem:$0x6480] =	vst v0  }
0x1c: {  	[tilespmem:$0x6490] =	vst v0  }
0x1d: {  	[tilespmem:$0x64A0] =	vst v0  }
0x1e: {  	[tilespmem:$0x64B0] =	vst v0  }
0x1f: {  	[tilespmem:$0x64C0] =	vst v0  }
0x20: {  	[tilespmem:$0x64D0] =	vst v0  }
0x21: {  	[tilespmem:$0x64E0] =	vst v0  }
0x22: {  	[tilespmem:$0x64F0] =	vst v0  }
0x23: {  	[tilespmem:$0x6500] =	vst v0  }
0x24: {  	[tilespmem:$0x6510] =	vst v0  }
0x25: {  	[tilespmem:$0x6520] =	vst v0  }
0x26: {  	[tilespmem:$0x6530] =	vst v0  }
0x27: {  	[tilespmem:$0x6540] =	vst v0  }
0x28: {  	[tilespmem:$0x6550] =	vst v0  }
0x29: {  	[tilespmem:$0x6560] =	vst v0  }
0x2a: {  	[tilespmem:$0x6570] =	vst v0  }
0x2b: {  	[tilespmem:$0x6580] =	vst v0  }
0x2c: {  	[tilespmem:$0x6590] =	vst v0  }
0x2d: {  	[tilespmem:$0x65A0] =	vst v0  }
0x2e: {  	[tilespmem:$0x65B0] =	vst v0  }
0x2f: {  	[tilespmem:$0x65C0] =	vst v0  }
0x30: {  	[tilespmem:$0x65D0] =	vst v0  }
0x31: {  	[tilespmem:$0x65E0] =	vst v0  }
0x32: {  	s18 =	simm.s32 $0x40;
	s19 =	simm.s32 $0x0;
	[tilespmem:$0x65F0] =	vst v0  }
.LBB2_2:
0x33: {  	p0 =	sne.s32 s18, $0xFFC0;
	[tilespmem:s19+$0x6600] =	vst v1;
	s19 =	smov.u32 s18;
	s18 =	sadd.s32 $0x40, s18  }
.Ltmp0:
0x34: {  	(pc) =	sbr.rel @p0 .LBB2_2-.Ltmp0, $2  }
0x35: {  	_ =	sdelay $0x2  }
0x36: {  	s19 =	sshra.s32 s19, $0x2  }
0x37: {  	[tilespmem:s19+$0x6600] =	vst v1  }
0x38: {  	[spmem:s5] =	stream.linear.scatter [tilespmem:s12], [sflag:$0x1], $0x4000, $0x38;
	[tilespmem:$0x1A600] =	vst v63  }
0x39: {  	_ =	swait.ge [sflag:s11], $0x4000  }
0x3a: {  	[sflag:s11] =	ssyncset.done $0x0  }
0x3b: {  	[sflag:s11] =	ssyncadd.s32 $0xFFFFC000  }
0x3c: {  	[spmem:s8] =	stream.linear.scatter [tilespmem:s12], [sflag:$0x1], $0x4000, $0x38;
	[tilespmem:$0x1A600] =	vst v63  }
0x3d: {  	_ =	swait.ge [sflag:s11], $0x4000  }
0x3e: {  	[sflag:s11] =	ssyncset.done $0x0  }
0x3f: {  	[sflag:s11] =	ssyncadd.s32 $0xFFFFC000  }
0x40: {  	[spmem:s9] =	stream.linear.scatter [tilespmem:s12], [sflag:$0x1], $0x4000, $0x38;
	[tilespmem:$0x1A600] =	vst v63  }
0x41: {  	_ =	swait.ge [sflag:s11], $0x4000  }
0x42: {  	[sflag:s11] =	ssyncset.done $0x0  }
0x43: {  	[sflag:s11] =	ssyncadd.s32 $0xFFFFC000  }
0x44: {  	[spmem:s10] =	stream.linear.scatter [tilespmem:s12], [sflag:$0x1], $0x4000, $0x38;
	[tilespmem:$0x1A600] =	vst v63  }
0x45: {  	_ =	swait.ge [sflag:s11], $0x4000  }
0x46: {  	[sflag:s11] =	ssyncset.done $0x0  }
0x47: {  	[sflag:s11] =	ssyncadd.s32 $0xFFFFC000  }
0x48: {  	s18 =	simm.s32 $0x0;
	[bflag:$0x0] =	sbarrier.arrive $0xFFFF  }
0x49: {  	[spmem:s2] =	stream.indirect.scatter.add.f32 [tilespmem:s14], [sflag:$0x1], $0x1, s18, s13, $0xb8;
	[tilespmem:$0x1A600] =	vst v63  }
0x4a: {  	_ =	swait.ge [sflag:s11], $0x200  }
0x4b: {  	s18 =	simm.s32 $0x800;
	[sflag:s11] =	ssyncset.done $0x0  }
.LBB2_4:
0x4c: {  	s19 =	sshra.s32 s18, $0x2;
	[sflag:s11] =	ssyncadd.s32 $0xFFFFFE00;
	p0 =	sne.s32 s18, $0x18800  }
0x4d: {  	[spmem:s2] =	stream.indirect.scatter.add.f32 [tilespmem:s14], [sflag:$0x1], $0x1, s19, s13, $0xb8;
	[tilespmem:$0x1A600] =	vst v63  }
.Ltmp1:
0x4e: {  	_ = 	snop;
	(pc) =	sbr.rel @p0 .LBB2_4-.Ltmp1, $4  }
0x4f: {  	_ = 	snop  }
0x50: {  	s18 =	sadd.s32 $0x800, s18  }
0x51: {  	_ =	swait.ge [sflag:s11], $0x200  }
0x52: {  	[sflag:s11] =	ssyncset.done $0x0  }
0x53: {  	s17 =	sadd.s32 $0x1, s17  }
0x54: {  	[sflag:s11] =	ssyncadd.s32 $0xFFFFFE00;
	p0 =	sne.s32 s17, s7  }
.Ltmp2:
0x55: {  	[bflag:$0x0] =	sbarrier.arrive $0xFFFF;
	(pc) =	sbr.rel @p0 .LBB2_1-.Ltmp2, $4  }
0x56: {  	[hbm:s6], [sflag:s15] =	dma.local [spmem:s16], $0x2000  }
0x57: {  	_ =	swait.ge [sflag:s11], $0x2000  }
0x58: {  	[sflag:s11] =	ssyncset.done $0x0  }
0x59: {  	[sflag:s11] =	ssyncadd.s32 $0xFFFFE000  }
0x5a: {  	_ =	sfence.sel $0x180000  }
0x5b: {  	[bflag:$0x0] =	sbarrier.arrive $0xFFFF  }
0x5c: {  	p0 =	sne.s32 s1, $0x0;
	_ =	strace $0x90000047  }
0x5d: {  	s0 =	sadd.s32 @!p0 $0x100000, s0;
	[bflag:$0x2] =	sbarrier.arrive $0xFFFF  }
0x5e: {  	[sflag:s0] =	ssyncadd.tile.s32 @!p0 $0x1;
	_ =	shalt  }
.Lfunc_end2:
_tile_overlayer_lowered:
.L_overlay_start_2:
0x5f: {  	(tag) =	ssettag $0x2  }
0x60: {  	s0 =	rddreg [dreg:$0x0];
	s2 =	stileid.u32  }
0x61: {  	s1 =	rddreg [dreg:$0x1];
	p0 =	sne.s32 s2, $0x0  }
0x62: {  	s3 =	rddreg [dreg:$0x2];
	[bflag:$0x3] =	sbarrier.arrive $0xFFFF;
	s2 =	simm.s32 @!p0 $0x1C01  }
0x63: {  	[timem:s3], [sflag:s2] =	dma.local @!p0 [hbm:s0], s1  }
0x64: {  	s0 =	simm.s32 @!p0 $0x1  }
0x65: {  	_ =	swait.ge @!p0 [sflag:s0], s1  }
0x66: {  	s1 =	ssub.s32 @!p0 $0x0, s1;
	[sflag:s0] =	ssyncset.done @!p0 $0x0  }
0x67: {  	[sflag:s0] =	ssyncadd.s32 @!p0 s1  }
0x68: {  	[bflag:$0x3] =	sbarrier.arrive $0xFFFF  }
0x69: {  	_ =	shalt  }

</sc_bundles>
